<compile_context>
chip_gen: v7x
topology: tpu7x:2x2x1
jax: 0.10.2.dev20260603
libtpu: 0.0.44.dev20260713+nightly
codegen_flags: <defaults>
</compile_context>

<pallas_src>
import functools

import jax
import jax.numpy as jnp
from jax import lax
from jax.experimental import pallas as pl
from jax.experimental.pallas import tpu as pltpu
from jax.experimental.pallas import tpu_sc as plsc

_LANES = 16


def _sc_partial_hist(edges, num_nodes, num_workers):
    num_edges = edges.shape[1]
    lane_tiles = num_edges // 128
    tiles_main = lane_tiles // num_workers
    chunk_main = tiles_main * 128
    chunk_last = num_edges - chunk_main * (num_workers - 1)
    assert chunk_main % _LANES == 0 and chunk_last % _LANES == 0

    mesh = plsc.VectorSubcoreMesh(core_axis_name="c", subcore_axis_name="s")
    num_cores = mesh.num_cores

    @functools.partial(
        pl.kernel,
        out_type=jax.ShapeDtypeStruct((num_workers, num_nodes), jnp.float32),
        mesh=mesh,
        scratch_types=[
            pltpu.VMEM((2, chunk_last), jnp.int32),
            pltpu.VMEM((num_nodes,), jnp.float32),
            pltpu.SemaphoreType.DMA,
        ],
        compiler_params=pltpu.CompilerParams(needs_layout_passes=False),
    )
    def hist_kernel(edge_hbm, out_hbm, idx_v, acc_v, sem):
        wid = lax.axis_index("s") * num_cores + lax.axis_index("c")
        base = pl.multiple_of(wid * chunk_main, 128)
        cp = pltpu.async_copy(edge_hbm.at[:, pl.ds(base, chunk_last)], idx_v, sem)

        zeros = jnp.zeros((_LANES,), jnp.float32)

        @plsc.parallel_loop(0, num_nodes // _LANES, unroll=4)
        def _zero(i):
            acc_v[pl.ds(i * _LANES, _LANES)] = zeros

        cp.wait()

        ones = jnp.ones((_LANES,), jnp.float32)

        def scat_body(i):
            idx = idx_v[0, pl.ds(i * _LANES, _LANES)]
            plsc.addupdate_scatter(acc_v, [idx], ones)

        plsc.parallel_loop(0, chunk_main // _LANES, unroll=4)(scat_body)

        @pl.when(wid == num_workers - 1)
        def _():
            plsc.parallel_loop(
                chunk_main // _LANES, chunk_last // _LANES, unroll=4
            )(scat_body)

        pltpu.sync_copy(acc_v, out_hbm.at[wid])

    return hist_kernel(edges)


def _tc_finish(x, partials, block_rows):
    num_nodes, d = x.shape
    num_workers = partials.shape[0]
    num_blocks = pl.cdiv(num_nodes, block_rows)

    def copy_body(x_ref, out_ref):
        out_ref[...] = jnp.transpose(x_ref[...], (1, 0))

    staged = pl.pallas_call(
        copy_body,
        grid=(num_blocks,),
        in_specs=[pl.BlockSpec((block_rows, d), lambda i: (i, 0))],
        out_specs=pl.BlockSpec((d, block_rows), lambda i: (0, i)),
        out_shape=jax.ShapeDtypeStruct((d + 1, num_nodes), jnp.float32),
    )(x)

    assert d % 8 == 0
    def col_body(staged_ref, part_ref, out_ref):
        del staged_ref
        deg = jnp.sum(part_ref[...], axis=0, keepdims=True)
        m = jnp.max(deg)
        nrm = jnp.where(m > 0, deg / m, deg)
        out_ref[...] = jnp.broadcast_to(nrm, (8, num_nodes))

    return pl.pallas_call(
        col_body,
        grid=(1,),
        in_specs=[
            pl.BlockSpec(memory_space=pl.ANY),
            pl.BlockSpec((num_workers, num_nodes), lambda i: (0, 0)),
        ],
        out_specs=pl.BlockSpec((8, num_nodes), lambda i: (d // 8, 0)),
        out_shape=jax.ShapeDtypeStruct((d + 1, num_nodes), jnp.float32),
        input_output_aliases={0: 0},
    )(staged, partials)


def kernel(x, edge_index):
    num_nodes = x.shape[0]
    num_workers = 32

    edges = edge_index
    if edges.dtype != jnp.int32:
        edges = edges.astype(jnp.int32)
    partials = _sc_partial_hist(edges, num_nodes, num_workers)
    out_t = _tc_finish(x, partials, block_rows=1280)
    return jnp.transpose(out_t, (1, 0))

# --- scband reference (transcript-rebuilt; emitter-appended) ---
"""Pipeline reference for scband-centrality-encoding-65300682768442 (READ-ONLY COPY).

The authoritative reference and input builder live on the scoring server;
editing this copy changes nothing except your own understanding.
"""

import jax, jax.numpy as jnp
import numpy as np


def setup_inputs(seed: int = 0) -> dict:
    key = jax.random.key(seed)
    k1, k2 = jax.random.split(key)
    x = jax.random.normal(k1, (10000, 128), dtype=jnp.float32)
    edge_index = jax.random.randint(k2, (2, 320000), 0, 10000, dtype=jnp.int64)
    return {"x": x, "edge_index": edge_index}


def reference(x, edge_index):
    # CentralityEncoding: degree of source node (edge_index[0]) per node,
    # normalized by max degree, concatenated as extra feature column.
    num_nodes = x.shape[0]
    row = edge_index[0]
    deg = jnp.zeros((num_nodes,), dtype=jnp.float32).at[row].add(1.0)
    max_deg = deg.max()
    deg = jnp.where(max_deg > 0, deg / max_deg, deg)
    out = jnp.concatenate([x, deg[:, None]], axis=1)
    return out

if __name__ == "__main__":
    import jax
    _d = setup_inputs()
    print(jax.jit(kernel)(*tuple(_d.values())))

</pallas_src>

<mosaic_0001>
#map = affine_map<(d0, d1) -> (0, 0)>
module attributes {stable_mosaic.version = 14 : i64} {
  func.func @hist_kernel(%arg0: i32, %arg1: i32, %arg2: memref<2x320000xi32, #tpu.memory_space<hbm>>, %arg3: memref<32x10000xf32, #tpu.memory_space<hbm>>, %arg4: memref<2x10496xi32, #tpu.memory_space<vmem>>, %arg5: memref<10000xf32, #tpu.memory_space<vmem>>, %arg6: memref<!tpu.dma_semaphore, #tpu.memory_space<semaphore_mem>>) attributes {dimension_semantics = [#tpu.dimension_semantics<core_parallel>, #tpu.dimension_semantics<subcore_parallel>], iteration_bounds = array<i64: 2, 16>, scalar_prefetch = 0 : i64, scratch_operands = 3 : i64, tpu.core_type = #tpu.core_type<sc_vector_subcore>, window_params = [{transform_indices = #map}, {transform_indices = #map}]} {
    %mul3A = arith.constant 2 : i32
    %mul3A_0 = arith.muli %arg1, %mul3A : i32
    %add3A = arith.addi %mul3A_0, %arg0 : i32
    %mul3A_1 = arith.constant 9984 : i32
    %mul3A_2 = arith.muli %add3A, %mul3A_1 : i32
    %multiple_of3A = tpu.assume_multiple %mul3A_2, 128 : i32
    %dma_start3A = arith.constant 0 : i32
    %dma_start3A_3 = tpu.memref_slice %arg2[%dma_start3A, %multiple_of3A] : memref<2x320000xi32, #tpu.memory_space<hbm>> -> memref<2x10496xi32, #tpu.memory_space<hbm>>
    %dma_start3A_4 = arith.constant 0 : i32
    %dma_start3A_5 = tpu.memref_slice %arg2[%dma_start3A_4, %multiple_of3A] : memref<2x320000xi32, #tpu.memory_space<hbm>> -> memref<2x10496xi32, #tpu.memory_space<hbm>>
    tpu.enqueue_dma source(%dma_start3A_5 : memref<2x10496xi32, #tpu.memory_space<hbm>>) target(%arg4 : memref<2x10496xi32, #tpu.memory_space<vmem>>) target_semaphore(%arg6 : memref<!tpu.dma_semaphore, #tpu.memory_space<semaphore_mem>>)
    %broadcast_in_dim3A = arith.constant 0.000000e+00 : f32
    %broadcast_in_dim3A_6 = vector.broadcast %broadcast_in_dim3A : f32 to vector<16xf32>
    %parallel_loop3A = arith.constant 0 : i32
    %parallel_loop3A_7 = arith.constant 625 : i32
    %parallel_loop3A_8 = arith.constant 1 : i32
    scf.for %parallel_loop3A_19 = %parallel_loop3A to %parallel_loop3A_7 step %parallel_loop3A_8  : i32 {
      %parallel_loop3A_20 = arith.constant 16 : i32
      %parallel_loop3A_21 = arith.muli %parallel_loop3A_19, %parallel_loop3A_20 : i32
      %parallel_loop3A_22 = arith.index_cast %parallel_loop3A_21 : i32 to index
      %parallel_loop3A_23 = tpu.vector_load %arg5[%parallel_loop3A_22] {strides = array<i32>} : memref<10000xf32, #tpu.memory_space<vmem>>, vector<16xf32>,
      tpu.vector_store %arg5[%parallel_loop3A_22], %broadcast_in_dim3A_6 {strides = array<i32>} : memref<10000xf32, #tpu.memory_space<vmem>>, vector<16xf32>,
    } {sc.loop_unroll_factor = 4 : i64, sc.parallel_access}
    %dma_wait3A = arith.constant 0 : i32
    %dma_wait3A_9 = tpu.memref_slice %arg2[%dma_wait3A, %multiple_of3A] : memref<2x320000xi32, #tpu.memory_space<hbm>> -> memref<2x10496xi32, #tpu.memory_space<hbm>>
    %dma_wait3A_10 = arith.constant 0 : i32
    %dma_wait3A_11 = tpu.memref_slice %arg2[%dma_wait3A_10, %multiple_of3A] : memref<2x320000xi32, #tpu.memory_space<hbm>> -> memref<2x10496xi32, #tpu.memory_space<hbm>>
    tpu.wait_dma2 semaphore(%arg6 : memref<!tpu.dma_semaphore, #tpu.memory_space<semaphore_mem>>) src(%dma_wait3A_11 : memref<2x10496xi32, #tpu.memory_space<hbm>>) dst(%arg4 : memref<2x10496xi32, #tpu.memory_space<vmem>>)
    %broadcast_in_dim3A_12 = arith.constant 1.000000e+00 : f32
    %broadcast_in_dim3A_13 = vector.broadcast %broadcast_in_dim3A_12 : f32 to vector<16xf32>
    %parallel_loop3A_14 = arith.constant 0 : i32
    %parallel_loop3A_15 = arith.constant 624 : i32
    %parallel_loop3A_16 = arith.constant 1 : i32
    scf.for %parallel_loop3A_19 = %parallel_loop3A_14 to %parallel_loop3A_15 step %parallel_loop3A_16  : i32 {
      %parallel_loop3A_20 = arith.constant 16 : i32
      %parallel_loop3A_21 = arith.muli %parallel_loop3A_19, %parallel_loop3A_20 : i32
      %parallel_loop3A_22 = arith.constant 0 : i32
      %parallel_loop3A_23 = arith.index_cast %parallel_loop3A_22 : i32 to index
      %parallel_loop3A_24 = arith.index_cast %parallel_loop3A_21 : i32 to index
      %parallel_loop3A_25 = tpu.vector_load %arg4[%parallel_loop3A_23, %parallel_loop3A_24] {strides = array<i32>} : memref<2x10496xi32, #tpu.memory_space<vmem>>, vector<16xi32>,
      tpu.vector_store_idx %arg5[%parallel_loop3A_25], %broadcast_in_dim3A_13 {add = true} : memref<10000xf32, #tpu.memory_space<vmem>>[vector<16xi32>], vector<16xf32>,
    } {sc.loop_unroll_factor = 4 : i64, sc.parallel_access}
    %eq3A = arith.constant 31 : i32
    %eq3A_17 = arith.cmpi eq, %add3A, %eq3A : i32
    %convert_element_type3A = arith.extui %eq3A_17 : i1 to i32
    %cond3A = arith.constant 0 : i32
    %cond3A_18 = arith.cmpi ne, %convert_element_type3A, %cond3A : i32
    scf.if %cond3A_18 {
      %parallel_loop3A_19 = arith.constant 624 : i32
      %parallel_loop3A_20 = arith.constant 656 : i32
      %parallel_loop3A_21 = arith.constant 1 : i32
      scf.for %parallel_loop3A_22 = %parallel_loop3A_19 to %parallel_loop3A_20 step %parallel_loop3A_21  : i32 {
        %parallel_loop3A_23 = arith.constant 16 : i32
        %parallel_loop3A_24 = arith.muli %parallel_loop3A_22, %parallel_loop3A_23 : i32
        %parallel_loop3A_25 = arith.constant 0 : i32
        %parallel_loop3A_26 = arith.index_cast %parallel_loop3A_25 : i32 to index
        %parallel_loop3A_27 = arith.index_cast %parallel_loop3A_24 : i32 to index
        %parallel_loop3A_28 = tpu.vector_load %arg4[%parallel_loop3A_26, %parallel_loop3A_27] {strides = array<i32>} : memref<2x10496xi32, #tpu.memory_space<vmem>>, vector<16xi32>,
        tpu.vector_store_idx %arg5[%parallel_loop3A_28], %broadcast_in_dim3A_13 {add = true} : memref<10000xf32, #tpu.memory_space<vmem>>[vector<16xi32>], vector<16xf32>,
      } {sc.loop_unroll_factor = 4 : i64, sc.parallel_access}
    } else {
    }
    "tpu.region"() ({
      %run_scoped3A = tpu.sem_alloc : memref<!tpu.dma_semaphore, #tpu.memory_space<semaphore_mem>>
      %dma_start3A_19 = arith.constant 0 : i32
      %dma_start3A_20 = tpu.memref_slice %arg3[%add3A, %dma_start3A_19] : memref<32x10000xf32, #tpu.memory_space<hbm>> -> memref<1x10000xf32, #tpu.memory_space<hbm>>
      %dma_start3A_21 = tpu.memref_squeeze %dma_start3A_20 : memref<1x10000xf32, #tpu.memory_space<hbm>> -> memref<10000xf32, #tpu.memory_space<hbm>>
      %dma_start3A_22 = arith.constant 0 : i32
      %dma_start3A_23 = tpu.memref_slice %arg3[%add3A, %dma_start3A_22] : memref<32x10000xf32, #tpu.memory_space<hbm>> -> memref<1x10000xf32, #tpu.memory_space<hbm>>
      %dma_start3A_24 = tpu.memref_squeeze %dma_start3A_23 : memref<1x10000xf32, #tpu.memory_space<hbm>> -> memref<10000xf32, #tpu.memory_space<hbm>>
      tpu.enqueue_dma source(%arg5 : memref<10000xf32, #tpu.memory_space<vmem>>) target(%dma_start3A_24 : memref<10000xf32, #tpu.memory_space<hbm>>) target_semaphore(%run_scoped3A : memref<!tpu.dma_semaphore, #tpu.memory_space<semaphore_mem>>)
      %dma_wait3A_25 = arith.constant 0 : i32
      %dma_wait3A_26 = tpu.memref_slice %arg3[%add3A, %dma_wait3A_25] : memref<32x10000xf32, #tpu.memory_space<hbm>> -> memref<1x10000xf32, #tpu.memory_space<hbm>>
      %dma_wait3A_27 = tpu.memref_squeeze %dma_wait3A_26 : memref<1x10000xf32, #tpu.memory_space<hbm>> -> memref<10000xf32, #tpu.memory_space<hbm>>
      %dma_wait3A_28 = arith.constant 0 : i32
      %dma_wait3A_29 = tpu.memref_slice %arg3[%add3A, %dma_wait3A_28] : memref<32x10000xf32, #tpu.memory_space<hbm>> -> memref<1x10000xf32, #tpu.memory_space<hbm>>
      %dma_wait3A_30 = tpu.memref_squeeze %dma_wait3A_29 : memref<1x10000xf32, #tpu.memory_space<hbm>> -> memref<10000xf32, #tpu.memory_space<hbm>>
      tpu.wait_dma2 semaphore(%run_scoped3A : memref<!tpu.dma_semaphore, #tpu.memory_space<semaphore_mem>>) src(%arg5 : memref<10000xf32, #tpu.memory_space<vmem>>) dst(%dma_wait3A_30 : memref<10000xf32, #tpu.memory_space<hbm>>)
      tpu.yield
    }) : () -> ()
    return
  }
}

module attributes {stable_mosaic.version = 14 : i64} {
  func.func @copy_body(%arg0: i32, %arg1: memref<1280x128xf32, #tpu.memory_space<vmem>>, %arg2: memref<128x1280xf32, #tpu.memory_space<vmem>>) attributes {dimension_semantics = [#tpu.dimension_semantics<arbitrary>], iteration_bounds = array<i64: 8>, scalar_prefetch = 0 : i64, scratch_operands = 0 : i64, tpu.core_type = #tpu.core_type<tc>, window_params = [{transform_indices = @transform_0, window_bounds = array<i64: 1280, 128>}, {transform_indices = @transform_1, window_bounds = array<i64: 128, 1280>}]} {
    %get3A = arith.constant 0 : index
    %get3A_0 = arith.constant 0 : index
    %get3A_1 = vector.load %arg1[%get3A, %get3A_0] : memref<1280x128xf32, #tpu.memory_space<vmem>>, vector<1280x128xf32>
    %transpose3A = tpu.transpose %get3A_1, [1, 0] : vector<1280x128xf32> -> vector<128x1280xf32>
    %swap3A = arith.constant 0 : index
    %swap3A_2 = arith.constant 0 : index
    %swap3A_3 = vector.load %arg2[%swap3A, %swap3A_2] : memref<128x1280xf32, #tpu.memory_space<vmem>>, vector<128x1280xf32>
    tpu.vector_store %arg2[%swap3A, %swap3A_2], %transpose3A {strides = array<i32>} : memref<128x1280xf32, #tpu.memory_space<vmem>>, vector<128x1280xf32>,
    return
  }
  func.func @transform_0(%arg0: i32) -> (i32, i32) {
    %c0_i32 = arith.constant 0 : i32
    %c0_i32_0 = arith.constant 0 : i32
    return %arg0, %c0_i32 : i32, i32
  }
  func.func @transform_1(%arg0: i32) -> (i32, i32) {
    %c0_i32 = arith.constant 0 : i32
    %c0_i32_0 = arith.constant 0 : i32
    return %c0_i32, %arg0 : i32, i32
  }
}

module attributes {stable_mosaic.version = 14 : i64} {
  func.func @col_body(%arg0: i32, %arg1: memref<129x10000xf32, #tpu.memory_space<any>>, %arg2: memref<32x10000xf32, #tpu.memory_space<vmem>>, %arg3: memref<8x10000xf32, #tpu.memory_space<vmem>>) attributes {dimension_semantics = [#tpu.dimension_semantics<arbitrary>], iteration_bounds = array<i64: 1>, scalar_prefetch = 0 : i64, scratch_operands = 0 : i64, tpu.core_type = #tpu.core_type<tc>, window_params = [{}, {pipeline_mode = #tpu.pipeline_mode<synchronous>, transform_indices = @transform_1, window_bounds = array<i64: 32, 10000>}, {transform_indices = @transform_2, window_bounds = array<i64: 8, 10000>}]} {
    %get3A = arith.constant 0 : index
    %get3A_0 = arith.constant 0 : index
    %get3A_1 = vector.load %arg2[%get3A, %get3A_0] : memref<32x10000xf32, #tpu.memory_space<vmem>>, vector<32x10000xf32>
    %reduce_sum3A = arith.constant dense<0.000000e+00> : vector<10000xf32>
    %reduce_sum3A_2 = vector.multi_reduction <add>, %get3A_1, %reduce_sum3A [0] : vector<32x10000xf32> to vector<10000xf32>
    %broadcast_in_dim3A = vector.shape_cast %reduce_sum3A_2 : vector<10000xf32> to vector<1x10000xf32>
    %reduce_max3A = vector.shape_cast %broadcast_in_dim3A : vector<1x10000xf32> to vector<1x1x10000xf32>
    %reduce_max3A_3 = arith.constant dense<0xFF800000> : vector<1xf32>
    %reduce_max3A_4 = vector.multi_reduction <maximumf>, %reduce_max3A, %reduce_max3A_3 [1, 2] : vector<1x1x10000xf32> to vector<1xf32>
    %reduce_max3A_5 = vector.shape_cast %reduce_max3A_4 : vector<1xf32> to vector<1x1x1xf32>
    %reduce_max3A_6 = vector.extract %reduce_max3A_5[0, 0, 0] : f32 from vector<1x1x1xf32>
    %gt3A = arith.constant 0.000000e+00 : f32
    %gt3A_7 = arith.cmpf ogt, %reduce_max3A_6, %gt3A : f32
    %div3A = vector.broadcast %reduce_max3A_6 : f32 to vector<1x10000xf32>
    %div3A_8 = arith.divf %broadcast_in_dim3A, %div3A : vector<1x10000xf32>
    %select_n3A = arith.select %gt3A_7, %div3A_8, %broadcast_in_dim3A : vector<1x10000xf32>
    %broadcast_in_dim3A_9 = vector.shape_cast %select_n3A : vector<1x10000xf32> to vector<1x10000xf32>
    %broadcast_in_dim3A_10 = vector.broadcast %broadcast_in_dim3A_9 : vector<1x10000xf32> to vector<8x10000xf32>
    %swap3A = arith.constant 0 : index
    %swap3A_11 = arith.constant 0 : index
    %swap3A_12 = vector.load %arg3[%swap3A, %swap3A_11] : memref<8x10000xf32, #tpu.memory_space<vmem>>, vector<8x10000xf32>
    tpu.vector_store %arg3[%swap3A, %swap3A_11], %broadcast_in_dim3A_10 {strides = array<i32>} : memref<8x10000xf32, #tpu.memory_space<vmem>>, vector<8x10000xf32>,
    return
  }
  func.func @transform_1(%arg0: i32) -> (i32, i32) {
    %c0_i32 = arith.constant 0 : i32
    %c0_i32_0 = arith.constant 0 : i32
    %c0_i32_1 = arith.constant 0 : i32
    return %c0_i32, %c0_i32_0 : i32, i32
  }
  func.func @transform_2(%arg0: i32) -> (i32, i32) {
    %c16_i32 = arith.constant 16 : i32
    %c0_i32 = arith.constant 0 : i32
    %c0_i32_0 = arith.constant 0 : i32
    return %c16_i32, %c0_i32 : i32, i32
  }
}

</mosaic_0001>

<sc_bundles>
// kernel: kernel.5.cloned.1.call-start
scs
__scs_entry_jumppad:
0x0: {  	(pc) =	sbr.rel $0x88, $3  }
0x1: {  	(tag) =	ssettag $0x0;
	lr =	simm.s32 $0x1  }
0x2: {  	[smem:$0x3F9F] =	sst lr;
	_ =	strace $0xD0000000  }
0x3: {  	_ = 	snop  }
0x4: {  	_ = 	snop  }
0x5: {  	_ = 	snop  }
0x6: {  	_ = 	snop  }
0x7: {  	_ = 	snop  }
__scs_overlays_trampoline_lowered:
0x8: {  	[smem:$0x3FAE] =	sst s0  }
0x9: {  	[smem:$0x3FAF] =	sst s1  }
0xa: {  	[smem:$0x3FB0] =	sst s2  }
0xb: {  	[smem:$0x3FB1] =	sst s3  }
0xc: {  	[smem:$0x3FB2] =	sst s4  }
0xd: {  	[smem:$0x3FB3] =	sst s5  }
0xe: {  	[smem:$0x3FB4] =	sst s6  }
0xf: {  	[smem:$0x3FB5] =	sst s7  }
0x10: {  	[smem:$0x3FB6] =	sst s8  }
0x11: {  	[smem:$0x3FB7] =	sst s9;
	s0 =	simm.s32 @!p0 $0x0  }
0x12: {  	s1 =	sld [smem:$0x3F9D];
	s0 =	simm.s32 @p0 $0x1  }
0x13: {  	[smem:$0x3FB8] =	sst s0;
	s0 =	simm.s32 @!p1 $0x0  }
0x14: {  	s2 =	sld [smem:$0x3F9C];
	s0 =	simm.s32 @p1 $0x1  }
0x15: {  	[smem:$0x3FB9] =	sst s0;
	s0 =	simm.s32 @!p2 $0x0  }
0x16: {  	s3 =	sld [smem:$0x3FDB];
	s0 =	simm.s32 @p2 $0x1  }
0x17: {  	s4 =	simm.s32 $0x1BF5;
	[smem:$0x3FBB] =	sst s0  }
0x18: {  	s0 =	sld [smem:$0x3F9E];
	_ =	swait.ge [sflag:s4], $0x0  }
0x19: {  	s7 =	sld [smem:$0x3F9F]  }
0x1a: {  	s8 =	sadd.s32 $0xFFFFE003, lr  }
0x1b: {  	s9 =	sadd.s32 $0xFFFFFEF7, lr;
	s5 =	simm.s32 $0xFFFFFFFF;
	p2 =	slt.u32 s8, $0xFFFFF086  }
0x1c: {  	p1 =	slt.u32 s9, $0xF7A;
	s5 =	simm.s32 @!p2 $0x0  }
0x1d: {  	s5 =	simm.s32 @p1 $0x1;
	p0 =	seq.s32 s7, s2  }
0x1e: {  	s7 =	smul.u32 @!p0 $0xF7A, s2;
	p2 =	seq.s32 @!p0 s5, $0x0  }
0x1f: {  	s9 =	smul.u32 $0xF7A, s1;
	s8 =	simm.s32 @!p0 $0x1BF5;
	p2 =	por !p2, p0  }
0x20: {  	[sflag:s8] =	ssyncset.s32 @!p0 $0xFFFFF086;
	s6 =	sadd.s32 @!p0 s3, s7;
	s7 =	simm.s32 @!p0 $0x108  }
0x21: {  	s3 =	sadd.s32 s3, s9;
	s6 =	sadd.s32 @!p0 $0x88, s6;
	s7 =	simm.s32 @p2 $0x1082  }
0x22: {  	[simem:s7], [sflag:s8] =	dma.local @!p0 [hbm:s6], $0xF7A  }
0x23: {  	s9 =	sor.u32 $0xD0000000, s2;
	s6 =	simm.s32 $0x108;
	_ =	swait.ge @!p0 [sflag:s8], $0x0  }
0x24: {  	s3 =	sadd.s32 $0x88, s3;
	s6 =	simm.s32 @!p1 $0x1082;
	[sflag:s4] =	ssyncset.s32 $0xFFFFF086  }
0x25: {  	[simem:s6], [sflag:s4] =	dma.local [hbm:s3], $0xF7A  }
0x26: {  	[smem:$0x3F9F] =	sst s1;
	(tag) =	ssettag s2;
	_ =	strace s9  }
0x27: {  	s1 =	sld [smem:$0x3FAF]  }
0x28: {  	s2 =	sld [smem:$0x3FB0]  }
0x29: {  	s4 =	sld [smem:$0x3FB2]  }
0x2a: {  	p0 =	seq.s32 s5, $0x0;
	s5 =	sld [smem:$0x3FB3]  }
0x2b: {  	s6 =	sld [smem:$0x3FB4]  }
0x2c: {  	s7 =	sld [smem:$0x3FB5]  }
0x2d: {  	s3 =	simm.s32 $0x108;
	s8 =	sld [smem:$0x3FB6]  }
0x2e: {  	s3 =	simm.s32 @!p0 $0x1082;
	s9 =	sld [smem:$0x3FB7]  }
0x2f: {  	lr =	sadd.s32 s0, s3;
	s0 =	sld [smem:$0x3FAE]  }
0x30: {  	s3 =	sld [smem:$0x3FB1]  }
0x31: {  	[smem:$0x3FBA] =	sst s10  }
0x32: {  	s10 =	sld [smem:$0x3FB8];
	_ =	sdelay $0x3  }
0x33: {  	p0 =	seq.s32 s10, $0x1;
	s10 =	sld [smem:$0x3FBA];
	_ =	sdelay $0x3  }
0x34: {  	[smem:$0x3FBA] =	sst s10  }
0x35: {  	s10 =	sld [smem:$0x3FB9];
	_ =	sdelay $0x3  }
0x36: {  	p1 =	seq.s32 s10, $0x1;
	s10 =	sld [smem:$0x3FBA];
	_ =	sdelay $0x3  }
0x37: {  	[smem:$0x3FBA] =	sst s10  }
0x38: {  	s10 =	sld [smem:$0x3FBB]  }
0x39: {  	_ = 	snop;
	(pc) =	sbr.ind lr, $3  }
0x3a: {  	_ = 	snop  }
0x3b: {  	_ = 	snop  }
0x3c: {  	p2 =	seq.s32 s10, $0x1;
	s10 =	sld [smem:$0x3FBA]  }
0x3d: {  	_ =	shalt  }
0x3e: {  	_ =	shalt  }
0x3f: {  	_ =	shalt  }
0x40: {  	_ =	shalt  }
0x41: {  	_ =	shalt  }
0x42: {  	_ =	shalt  }
0x43: {  	_ =	shalt  }
0x44: {  	_ =	shalt  }
0x45: {  	_ =	shalt  }
0x46: {  	_ =	shalt  }
0x47: {  	_ =	shalt  }
0x48: {  	_ =	shalt  }
0x49: {  	_ =	shalt  }
0x4a: {  	_ =	shalt  }
0x4b: {  	_ =	shalt  }
0x4c: {  	_ =	shalt  }
0x4d: {  	_ =	shalt  }
0x4e: {  	_ =	shalt  }
0x4f: {  	_ =	shalt  }
0x50: {  	_ =	shalt  }
0x51: {  	_ =	shalt  }
0x52: {  	_ =	shalt  }
0x53: {  	_ =	shalt  }
0x54: {  	_ =	shalt  }
0x55: {  	_ =	shalt  }
0x56: {  	_ =	shalt  }
0x57: {  	_ =	shalt  }
0x58: {  	_ =	shalt  }
0x59: {  	_ =	shalt  }
0x5a: {  	_ =	shalt  }
0x5b: {  	_ =	shalt  }
0x5c: {  	_ =	shalt  }
0x5d: {  	_ =	shalt  }
0x5e: {  	_ =	shalt  }
0x5f: {  	_ =	shalt  }
0x60: {  	_ =	shalt  }
0x61: {  	_ =	shalt  }
0x62: {  	_ =	shalt  }
0x63: {  	_ =	shalt  }
0x64: {  	_ =	shalt  }
0x65: {  	_ =	shalt  }
0x66: {  	_ =	shalt  }
0x67: {  	_ =	shalt  }
0x68: {  	_ =	shalt  }
0x69: {  	_ =	shalt  }
0x6a: {  	_ =	shalt  }
0x6b: {  	_ =	shalt  }
0x6c: {  	_ =	shalt  }
0x6d: {  	_ =	shalt  }
0x6e: {  	_ =	shalt  }
0x6f: {  	_ =	shalt  }
0x70: {  	_ =	shalt  }
0x71: {  	_ =	shalt  }
0x72: {  	_ =	shalt  }
0x73: {  	_ =	shalt  }
0x74: {  	_ =	shalt  }
0x75: {  	_ =	shalt  }
0x76: {  	_ =	shalt  }
0x77: {  	_ =	shalt  }
0x78: {  	_ =	shalt  }
0x79: {  	_ =	shalt  }
0x7a: {  	_ =	shalt  }
0x7b: {  	_ =	shalt  }
0x7c: {  	_ =	shalt  }
0x7d: {  	_ =	shalt  }
0x7e: {  	_ =	shalt  }
0x7f: {  	_ =	shalt  }
0x80: {  	_ =	shalt  }
0x81: {  	_ =	shalt  }
0x82: {  	_ =	shalt  }
0x83: {  	_ =	shalt  }
0x84: {  	_ =	shalt  }
0x85: {  	_ =	shalt  }
0x86: {  	_ =	shalt  }
0x87: {  	_ =	shalt  }
.Lfunc_end0:
.L_simem_size_0:
called_computation_lowered:
.L_overlay_start_0:
0x88: {  	s2 =	sld [smem:$0x3FD9]  }
0x89: {  	s3 =	sld [smem:$0x3FFE];
	_ =	sdelay $0x1  }
0x8a: {  	s1 =	srdreg.scid  }
0x8b: {  	s0 =	sand.u32 $0x1, s1  }
0x8c: {  	s17 =	sshll.u32 s0, $0xA;
	s2 =	sadd.s32 s3, s2  }
0x8d: {  	s2 =	sadd.s32 s2, s17  }
0x8e: {  	[smem:$0x3FC6] =	sst s2  }
0x8f: {  	_ = 	snop  }
0x90: {  	s2 =	sld [smem:$0x3FC8];
	(tm) =	ssettm $0x1  }
0x91: {  	s18 =	sld [smem:$0x3FFB];
	_ =	sdelay $0x3  }
0x92: {  	_ =	strace s18  }
0x93: {  	s3 =	sld [smem:$0x3FFC];
	_ =	sdelay $0x3  }
0x94: {  	_ =	strace s3  }
0x95: {  	s3 =	sld [smem:$0x3FFD];
	_ =	sdelay $0x3  }
0x96: {  	_ =	strace s3  }
0x97: {  	_ =	strace $0x8FFFFFFF  }
0x98: {  	s19 =	sld [smem:$0x3FDB];
	_ =	sdelay $0x1  }
0x99: {  	s4 =	simm.s32 $_scs_section_size  }
0x9a: {  	s5 =	simm.s32 $_size__tile_overlayer_lowered;
	s6 =	simm.s32 $_tile_overlayer_lowered  }
0x9b: {  	s22 =	simm.s32 $0x1BFF;
	s21 =	sshll.u32 s6, $0x1;
	s3 =	sadd.s32 s4, s19  }
0x9c: {  	s7 =	simm.s32 $0x0;
	s20 =	sshll.u32 s5, $0x1;
	s5 =	sadd.s32 s21, s3  }
0x9d: {  	[timem:s7], [sflag:s22] =	dma.local [hbm:s5], s20  }
0x9e: {  	_ =	swait.ge [sflag:s22], s20  }
0x9f: {  	s4 =	ssub.s32 $0x0, s20;
	[sflag:s22] =	ssyncset.done $0x0  }
0xa0: {  	[sflag:s22] =	ssyncadd.s32 s4;
	_ =	sdelay $0x1  }
0xa1: {  	s23 =	simm.s32 $0x1B8B  }
0xa2: {  	_ =	swait.ge [sflag:s23], $0x1  }
0xa3: {  	[sflag:s23] =	ssyncset.done $0x0  }
0xa4: {  	s25 =	simm.s32 $0x1B8E;
	s24 =	sld [smem:$0x3FFE];
	[sflag:s23] =	ssyncadd.s32 $0xFFFFFFFF  }
0xa5: {  	s26 =	simm.s32 $execute0_lowered;
	[smem:$0x3FD2] =	sst s25  }
0xa6: {  	s5 =	sshll.u32 s26, $0x1;
	_ =	strace $0x80000046;
	[dreg:$0x1] =	wrdreg $0xFFFFFFFF  }
0xa7: {  	s28 =	simm.s32 $_size_execute0_lowered;
	s3 =	sadd.s32 s3, s5;
	[dreg:$0x0] =	wrdreg $0x0  }
0xa8: {  	s5 =	sshll.u32 s28, $0x1;
	[dreg:$0x2] =	wrdreg s3  }
0xa9: {  	[dreg:$0x3] =	wrdreg s5  }
0xaa: {  	[dreg:$0x4] =	wrdreg $0xC0  }
0xab: {  	_ =	task [dreg:s7], $0x5FFFF  }
0xac: {  	[dreg:$0x1] =	wrdreg $0xFFFFFFFF  }
0xad: {  	[dreg:$0x0] =	wrdreg $0x60  }
0xae: {  	[dreg:$0x2] =	wrdreg s2  }
0xaf: {  	[dreg:$0x3] =	wrdreg s24  }
0xb0: {  	[dreg:$0x4] =	wrdreg $0x9  }
0xb1: {  	_ =	task.clear_ibuf [dreg:s7], $0x5FFFF;
	_ =	strace $0x90000046  }
0xb2: {  	s29 =	simm.s32 $0x9;
	_ =	strace $0x80000048  }
0xb3: {  	_ =	swait.ge [sflag:s29], $0x1  }
0xb4: {  	[sflag:s29] =	ssyncadd.s32 $0xFFFFFFFF  }
0xb5: {  	_ =	strace $0x90000048  }
0xb6: {  	_ =	sfence  }
0xb7: {  	s30 =	sld [smem:$0x0];
	_ =	sdelay $0x2  }
0xb8: {  	s31 =	sshll.u32 s1, $0xD;
	s1 =	sshrl.u32 s1, $0x2  }
0xb9: {  	s3 =	sand.u32 $0x4000, s31;
	s1 =	sadd.s32 s1, s30  }
0xba: {  	s0 =	sor.u32 s3, s0;
	s1 =	sshll.u32 s1, $0x11  }
0xbb: {  	s0 =	sor.u32 s1, s0  }
0xbc: {  	s0 =	sadd.s32 $0x8F2B, s0  }
0xbd: {  	[sflag:s0] =	ssyncadd.remote.s32 $0x1  }
0xbe: {  	_ =	sfence.sel $0xFFFF  }
0xbf: {  	[dreg:$0x0] =	wrdreg $0xFFFFFFFF;
	(pc) =	sbr.abs _section_cstart, $3  }
0xc0: {  	[dreg:$0x1] =	wrdreg $0xFFFFFFFF  }
0xc1: {  	_ =	task.clear_ibuf [dreg:s7], $0x2FFFF;
	_ =	strace $0x9FFFFFFF  }
0xc2: {  	(tm) =	ssettm $0x7FFFFFFF  }
0xc3: {  	_ =	shalt  }
tec
execute0_lowered:
.L_overlay_start_1:
0x0: {  	(tag) =	ssettag $0x1  }
0x1: {  	s3 =	rddreg [dreg:$0x0]  }
0x2: {  	s1 =	srdreg.scid;
	s0 =	stileid.u32  }
0x3: {  	s4 =	rddreg [dreg:$0x1];
	s10 =	simm.s32 $0x2;
	s11 =	simm.s32 $0x0  }
0x4: {  	s5 =	sand.u32 $0x1, s1;
	s2 =	sshll.u32 s0, $0x1;
	s1 =	rddreg [dreg:$0x2]  }
0x5: {  	s6 =	sshrl.u32 s0, $0x2;
	s8 =	sor.u32 s5, s2;
	s2 =	simm.s32 $0x0  }
0x6: {  	s6 =	smul.u32 $0x13C00, s6;
	s5 =	ssub.s32 $0x2, s5;
	s7 =	sshll.u32 s8, $0x7  }
0x7: {  	[smem:$0x7FF] =	sst s2;
	s31 =	smul.u32 $0x9C0, s8;
	s9 =	sshrl.u32 s5, $0x1  }
.Ltmp0:
0x8: {  	p0 =	sne.s32 s8, $0x1F;
	s7 =	sand.u32 $0x380, s7;
	(pc) =	sbr.rel .LBB2_1-.Ltmp0, $4  }
0x9: {  	s8 =	simm.s32 $0x80;
	_ =	strace $0x80000047;
	s6 =	sor.u32 s6, s7  }
0xa: {  	s5 =	ssub.s32 s5, s9;
	s9 =	simm.s32 $0x400;
	s6 =	sshrl.u32 s6, $0x3  }
0xb: {  	s3 =	sadd.s32 s3, s31;
	s5 =	smax.u32 s5, $0x1;
	s4 =	sadd.s32 s6, s4  }
0xc: {  	v0 =	vimm.f32 $0.0e+00;
	v1 =	vimm.f32 $1.000000000e+00;
	s7 =	simm.s32 $0x5200;
	s6 =	simm.s32 $0x1;
	s4 =	sadd.s32 $0x800, s4  }
.LBB2_8:
0xd: {  	_ =	sdelay $0x3  }
0xe: {  	[tilespmem:v2+s7+$0x0] =	vst.idx.add.f32.msk $0xffff, v1  }
0xf: {  	[tilespmem:v3+s7+$0x0] =	vst.idx.add.f32.msk $0xffff, v1  }
0x10: {  	[tilespmem:v5+s7+$0x0] =	vst.idx.add.f32.msk $0xffff, v1  }
0x11: {  	[tilespmem:v4+s7+$0x0] =	vst.idx.add.f32.msk $0xffff, v1  }
.LBB2_9:
0x12: {  	s11 =	sadd.s32 $0x1, s11  }
0x13: {  	p1 =	sne.s32 s11, s5  }
.Ltmp1:
0x14: {  	_ = 	snop;
	(pc) =	sbr.rel @!p1 .LBB2_10-.Ltmp1, $4  }
0x15: {  	[hbm4b:s4+s8] =	stream.strided.scatter [tilespmem:s7], [sflag:$0x2], $0x2780, s9, s8, $0x38;
	[tilespmem:$0x7980] =	vst v63  }
0x16: {  	_ =	swait.ge [sflag:s10], $0x2780  }
0x17: {  	[sflag:s10] =	ssyncset.done $0x0  }
0x18: {  	[sflag:s10] =	ssyncadd.s32 $0xFFFFD880  }
.LBB2_1:
0x19: {  	[tilespmem:s2], [sflag:$0x1] =	stream.linear.gather [hbm4b:s3+s2], $0x5200, $0x38;
	[tilespmem:$0x7980] =	vst v63  }
0x1a: {  	s12 =	simm.s32 $0x5220  }
0x1b: {  	[tilespmem:s12+$0xFFFFFFE0] =	vst v0  }
0x1c: {  	[tilespmem:s12+$0x10] =	vst v0  }
0x1d: {  	s13 =	simm.s32 $0x0;
	[tilespmem:s12+$0x0] =	vst v0  }
.LBB2_2:
0x1e: {  	s13 =	sadd.s32 $0x4, s13  }
0x1f: {  	[tilespmem:s12+$0xFFFFFFF0] =	vst v0;
	s12 =	sadd.s32 $0x40, s12;
	p1 =	slt.u32 s13, $0x26C  }
.Ltmp2:
0x20: {  	[tilespmem:s12+$0xFFFFFFE0] =	vst v0;
	(pc) =	sbr.rel @p1 .LBB2_2-.Ltmp2, $3  }
0x21: {  	_ =	sdelay $0x1  }
0x22: {  	[tilespmem:s12+$0x10] =	vst v0  }
0x23: {  	[tilespmem:s12+$0x0] =	vst v0  }
0x24: {  	[tilespmem:s12+$0xFFFFFFF0] =	vst v0  }
0x25: {  	[tilespmem:$0x7900] =	vst v0  }
0x26: {  	s31 =	simm.s32 $0x0;
	_ =	swait.ge [sflag:s6], $0x5200  }
0x27: {  	s13 =	sand.u32 $0x40, s31;
	s12 =	sand.u32 $0x7F00, s31;
	[sflag:s6] =	ssyncset.done $0x0  }
0x28: {  	s13 =	sor.u32 s13, s12;
	[sflag:s6] =	ssyncadd.s32 $0xFFFFAE00  }
0x29: {  	v2 =	vld [tilespmem:s13+$0x30];
	_ =	sdelay $0x1  }
0x2a: {  	v5 =	vld [tilespmem:s13+$0x10]  }
0x2b: {  	v4 =	vld [tilespmem:s13+$0x20];
	_ =	sdelay $0x1  }
0x2c: {  	v3 =	vld [tilespmem:s13+$0x0]  }
0x2d: {  	s14 =	simm.s32 $0x40;
	s12 =	simm.s32 $0x0;
	s13 =	simm.s32 $0x80  }
.LBB2_4:
0x2e: {  	s15 =	sand.u32 $0x40, s14;
	s16 =	sand.u32 $0x7F00, s13;
	s12 =	sadd.s32 $0x4, s12;
	v6 =	vmov v5  }
0x2f: {  	s15 =	sor.u32 s15, s16;
	p1 =	slt.u32 s12, $0x26C;
	[tilespmem:v2+s7+$0x0] =	vst.idx.add.f32.msk $0xffff, v1;
	v7 =	vmov v4  }
0x30: {  	v2 =	vld [tilespmem:s15+$0x30]  }
0x31: {  	v8 =	vld [tilespmem:s15+$0x0]  }
.Ltmp3:
0x32: {  	v5 =	vld [tilespmem:s15+$0x10];
	(pc) =	sbr.rel @p1 .LBB2_4-.Ltmp3, $4  }
0x33: {  	v4 =	vld [tilespmem:s15+$0x20]  }
0x34: {  	[tilespmem:v3+s7+$0x0] =	vst.idx.add.f32.msk $0xffff, v1  }
0x35: {  	[tilespmem:v6+s7+$0x0] =	vst.idx.add.f32.msk $0xffff, v1  }
0x36: {  	s13 =	sadd.s32 $0x80, s13;
	s14 =	sadd.s32 $0x40, s14;
	[tilespmem:v7+s7+$0x0] =	vst.idx.add.f32.msk $0xffff, v1;
	v3 =	vmov v8  }
0x37: {  	_ =	sdelay $0x2  }
.Ltmp4:
0x38: {  	_ = 	snop;
	(pc) =	sbr.rel @p0 .LBB2_9-.Ltmp4, $4  }
0x39: {  	[tilespmem:v2+s7+$0x0] =	vst.idx.add.f32.msk $0xffff, v1  }
0x3a: {  	[tilespmem:v3+s7+$0x0] =	vst.idx.add.f32.msk $0xffff, v1  }
0x3b: {  	[tilespmem:v5+s7+$0x0] =	vst.idx.add.f32.msk $0xffff, v1  }
0x3c: {  	[tilespmem:v4+s7+$0x0] =	vst.idx.add.f32.msk $0xffff, v1  }
0x3d: {  	s12 =	simm.s32 $0x4E00;
	s13 =	simm.s32 $0x2700  }
0x3e: {  	s13 =	sand.u32 $0x40, s13;
	s12 =	sand.u32 $0x7F00, s12  }
0x3f: {  	s13 =	sor.u32 s13, s12  }
0x40: {  	v2 =	vld [tilespmem:s13+$0x30];
	_ =	sdelay $0x1  }
0x41: {  	v5 =	vld [tilespmem:s13+$0x10]  }
0x42: {  	v4 =	vld [tilespmem:s13+$0x20];
	_ =	sdelay $0x1  }
0x43: {  	v3 =	vld [tilespmem:s13+$0x0]  }
0x44: {  	s14 =	simm.s32 $0x2740;
	s12 =	simm.s32 $0x270;
	s13 =	simm.s32 $0x4E80  }
.LBB2_7:
0x45: {  	s15 =	sand.u32 $0x40, s14;
	s16 =	sand.u32 $0x7F00, s13;
	s12 =	sadd.s32 $0x4, s12;
	v6 =	vmov v5  }
0x46: {  	v7 =	vmov v4;
	s15 =	sor.u32 s15, s16;
	p1 =	slt.u32 s12, $0x28C;
	[tilespmem:v2+s7+$0x0] =	vst.idx.add.f32.msk $0xffff, v1  }
0x47: {  	v2 =	vld [tilespmem:s15+$0x30]  }
0x48: {  	v8 =	vld [tilespmem:s15+$0x0]  }
.Ltmp5:
0x49: {  	v5 =	vld [tilespmem:s15+$0x10];
	(pc) =	sbr.rel @p1 .LBB2_7-.Ltmp5, $4  }
0x4a: {  	v4 =	vld [tilespmem:s15+$0x20]  }
0x4b: {  	[tilespmem:v3+s7+$0x0] =	vst.idx.add.f32.msk $0xffff, v1  }
0x4c: {  	[tilespmem:v6+s7+$0x0] =	vst.idx.add.f32.msk $0xffff, v1  }
0x4d: {  	s13 =	sadd.s32 $0x80, s13;
	s14 =	sadd.s32 $0x40, s14;
	[tilespmem:v7+s7+$0x0] =	vst.idx.add.f32.msk $0xffff, v1;
	v3 =	vmov v8  }
.Ltmp6:
0x4e: {  	_ = 	snop;
	(pc) =	sbr.rel .LBB2_8-.Ltmp6, $1  }
0x4f: {  	_ =	sdelay $0x3  }
.LBB2_10:
0x50: {  	_ =	sfence.sel $0x180000  }
0x51: {  	[bflag:$0x0] =	sbarrier.arrive $0xFFFF  }
0x52: {  	p0 =	sne.s32 s0, $0x0;
	_ =	strace $0x90000047  }
0x53: {  	s0 =	sadd.s32 @!p0 $0x100000, s1;
	[bflag:$0x2] =	sbarrier.arrive $0xFFFF  }
0x54: {  	[sflag:s0] =	ssyncadd.tile.s32 @!p0 $0x1;
	_ =	shalt  }
.Lfunc_end2:
_tile_overlayer_lowered:
.L_overlay_start_2:
0x55: {  	(tag) =	ssettag $0x2  }
0x56: {  	s0 =	rddreg [dreg:$0x0];
	s2 =	stileid.u32  }
0x57: {  	s1 =	rddreg [dreg:$0x1];
	p0 =	sne.s32 s2, $0x0  }
0x58: {  	s3 =	rddreg [dreg:$0x2];
	[bflag:$0x3] =	sbarrier.arrive $0xFFFF;
	s2 =	simm.s32 @!p0 $0x1C02  }
0x59: {  	[timem:s3], [sflag:s2] =	dma.local @!p0 [hbm:s0], s1  }
0x5a: {  	s0 =	simm.s32 @!p0 $0x2  }
0x5b: {  	_ =	swait.ge @!p0 [sflag:s0], s1  }
0x5c: {  	s1 =	ssub.s32 @!p0 $0x0, s1;
	[sflag:s0] =	ssyncset.done @!p0 $0x0  }
0x5d: {  	[sflag:s0] =	ssyncadd.s32 @!p0 s1  }
0x5e: {  	[bflag:$0x3] =	sbarrier.arrive $0xFFFF  }
0x5f: {  	_ =	shalt  }

</sc_bundles>
